<compile_context>
chip_gen: v7x
topology: tpu7x:2x2x1
jax: 0.10.2.dev20260603
libtpu: 0.0.44.dev20260713+nightly
codegen_flags: <defaults>
</compile_context>

<pallas_src>
import jax
import jax.numpy as jnp
from jax import lax
from jax.experimental import pallas as pl
from jax.experimental.pallas import tpu as pltpu
from jax.experimental.pallas import tpu_sc as plsc

V = 100000
D = 64
B = 1024
L = 20

NC = 2
NS = 16
NW = NC * NS
BAGS_PER_W = B // NW
IDX_PER_W = BAGS_PER_W * L
GATHER_CHUNK = 128
N_CHUNKS = IDX_PER_W // GATHER_CHUNK

TV = 1024


def _pool_sc_kernel(x_hbm, emb_hbm, out_hbm, idx_v, rows_v, pooled_v, sem):
    wid = lax.axis_index("s") * NC + lax.axis_index("c")
    base = wid * IDX_PER_W

    pltpu.sync_copy(x_hbm.at[pl.ds(base, IDX_PER_W)], idx_v)

    copies = []
    for c in range(N_CHUNKS):
        copies.append(
            pltpu.async_copy(
                emb_hbm.at[idx_v.at[pl.ds(c * GATHER_CHUNK, GATHER_CHUNK)]],
                rows_v.at[pl.ds(c * GATHER_CHUNK, GATHER_CHUNK)],
                sem,
            )
        )
    for cp in copies:
        cp.wait()

    def bag_body(i, _):
        for d in range(D // 16):
            sl = pl.ds(d * 16, 16)

            def row_body(j, acc):
                return acc + rows_v[i * L + j, sl]

            acc = lax.fori_loop(0, L, row_body, jnp.zeros((16,), jnp.float32))
            pooled_v[i, sl] = acc
        return 0

    lax.fori_loop(0, BAGS_PER_W, bag_body, 0)

    pltpu.sync_copy(pooled_v, out_hbm.at[pl.ds(wid * BAGS_PER_W, BAGS_PER_W)])


def _pool_sc(x_flat, emb):
    mesh = plsc.VectorSubcoreMesh(core_axis_name="c", subcore_axis_name="s")
    return pl.kernel(
        _pool_sc_kernel,
        out_type=jax.ShapeDtypeStruct((B, D), jnp.float32),
        mesh=mesh,
        compiler_params=pltpu.CompilerParams(use_tc_tiling_on_sc=False),
        scratch_types=[
            pltpu.VMEM((IDX_PER_W,), jnp.int32),
            pltpu.VMEM((IDX_PER_W, D), jnp.float32),
            pltpu.VMEM((BAGS_PER_W, D), jnp.float32),
            pltpu.SemaphoreType.DMA,
        ],
    )(x_flat, emb)


def _matmul_kernel(pooled_ref, wt_ref, b_ref, out_ref):
    out_ref[...] = lax.dot_general(
        wt_ref[...],
        pooled_ref[...],
        (((0,), (1,)), ((), ())),
        preferred_element_type=jnp.float32,
    ) + lax.dot_general(
        b_ref[...],
        jnp.ones((1, B), jnp.float32),
        (((0,), (0,)), ((), ())),
        preferred_element_type=jnp.float32,
    )


def _matmul_t(pooled, WT, b2d):
    return pl.pallas_call(
        _matmul_kernel,
        grid=(pl.cdiv(V, TV),),
        in_specs=[
            pl.BlockSpec((B, D), lambda i: (0, 0)),
            pl.BlockSpec((D, TV), lambda i: (0, i)),
            pl.BlockSpec((1, TV), lambda i: (0, i)),
        ],
        out_specs=pl.BlockSpec((TV, B), lambda i: (i, 0)),
        out_shape=jax.ShapeDtypeStruct((V, B), jnp.float32),
    )(pooled, WT, b2d)


@jax.jit
def kernel(x, emb, W, b):
    x_flat = x.reshape(-1).astype(jnp.int32)
    pooled = _pool_sc(x_flat, emb)
    outT = _matmul_t(pooled, jnp.transpose(W), b.reshape(1, V))
    return outT.T

# --- scband reference (transcript-rebuilt; emitter-appended) ---
"""Pipeline reference for scband-cbow-6227702579312 (READ-ONLY COPY).

The authoritative reference and input builder live on the scoring server;
editing this copy changes nothing except your own understanding.
"""

import jax, jax.numpy as jnp
import numpy as np

V = 100000
D = 64
B = 1024
L = 20

def setup_inputs(seed: int = 0) -> dict:
    key = jax.random.key(seed)
    k1, k2, k3 = jax.random.split(key, 3)
    x = jax.random.randint(k1, (B, L), 0, V)
    emb = jax.random.normal(k2, (V, D), dtype=jnp.float32) * 0.02
    W = jax.random.normal(k3, (V, D), dtype=jnp.float32) * 0.02
    b = jnp.zeros((V,), dtype=jnp.float32)
    return {"x": x, "emb": emb, "W": W, "b": b}

def reference(x, emb, W, b):
    # nn.EmbeddingBag(mode='sum') on 2D input: gather rows then sum over bag dim
    pooled = jnp.take(emb, x, axis=0).sum(axis=1)  # [B, D]
    # nn.Linear(embedding_dim, vocab_size): y = pooled @ W^T + b
    out = pooled @ W.T + b  # [B, V]
    return out

if __name__ == "__main__":
    import jax
    _d = setup_inputs()
    print(jax.jit(kernel)(*tuple(_d.values())))

</pallas_src>

<mosaic_0001>
#map = affine_map<(d0, d1) -> (0)>
#map1 = affine_map<(d0, d1) -> (0, 0)>
module attributes {stable_mosaic.version = 14 : i64} {
  func.func @_pool_sc_kernel(%arg0: i32, %arg1: i32, %arg2: memref<20480xi32, #tpu.memory_space<hbm>>, %arg3: memref<100000x64xf32, #tpu.memory_space<hbm>>, %arg4: memref<1024x64xf32, #tpu.memory_space<hbm>>, %arg5: memref<640xi32, #tpu.memory_space<vmem>>, %arg6: memref<640x64xf32, #tpu.memory_space<vmem>>, %arg7: memref<32x64xf32, #tpu.memory_space<vmem>>, %arg8: memref<!tpu.dma_semaphore, #tpu.memory_space<semaphore_mem>>) attributes {dimension_semantics = [#tpu.dimension_semantics<core_parallel>, #tpu.dimension_semantics<subcore_parallel>], iteration_bounds = array<i64: 2, 16>, scalar_prefetch = 0 : i64, scratch_operands = 4 : i64, tpu.core_type = #tpu.core_type<sc_vector_subcore>, window_params = [{transform_indices = #map}, {transform_indices = #map1}, {transform_indices = #map1}]} {
    %mul3A = arith.constant 2 : i32
    %mul3A_0 = arith.muli %arg1, %mul3A : i32
    %add3A = arith.addi %mul3A_0, %arg0 : i32
    %mul3A_1 = arith.constant 640 : i32
    %mul3A_2 = arith.muli %add3A, %mul3A_1 : i32
    "tpu.region"() ({
      %run_scoped3A = tpu.sem_alloc : memref<!tpu.dma_semaphore, #tpu.memory_space<semaphore_mem>>
      %dma_start3A_89 = tpu.memref_slice %arg2[%mul3A_2] : memref<20480xi32, #tpu.memory_space<hbm>> -> memref<640xi32, #tpu.memory_space<hbm>>
      %dma_start3A_90 = tpu.memref_slice %arg2[%mul3A_2] : memref<20480xi32, #tpu.memory_space<hbm>> -> memref<640xi32, #tpu.memory_space<hbm>>
      tpu.enqueue_dma source(%dma_start3A_90 : memref<640xi32, #tpu.memory_space<hbm>>) target(%arg5 : memref<640xi32, #tpu.memory_space<vmem>>) target_semaphore(%run_scoped3A : memref<!tpu.dma_semaphore, #tpu.memory_space<semaphore_mem>>)
      %dma_wait3A_91 = tpu.memref_slice %arg2[%mul3A_2] : memref<20480xi32, #tpu.memory_space<hbm>> -> memref<640xi32, #tpu.memory_space<hbm>>
      %dma_wait3A_92 = tpu.memref_slice %arg2[%mul3A_2] : memref<20480xi32, #tpu.memory_space<hbm>> -> memref<640xi32, #tpu.memory_space<hbm>>
      tpu.wait_dma2 semaphore(%run_scoped3A : memref<!tpu.dma_semaphore, #tpu.memory_space<semaphore_mem>>) src(%dma_wait3A_92 : memref<640xi32, #tpu.memory_space<hbm>>) dst(%arg5 : memref<640xi32, #tpu.memory_space<vmem>>)
      tpu.yield
    }) : () -> ()
    %dma_start3A = arith.constant 0 : i32
    %dma_start3A_3 = arith.constant 0 : i32
    %dma_start3A_4 = tpu.memref_slice %arg6[%dma_start3A, %dma_start3A_3] : memref<640x64xf32, #tpu.memory_space<vmem>> -> memref<128x64xf32, #tpu.memory_space<vmem>>
    %dma_start3A_5 = arith.constant 0 : i32
    %dma_start3A_6 = tpu.memref_slice %arg5[%dma_start3A_5] : memref<640xi32, #tpu.memory_space<vmem>> -> memref<128xi32, #tpu.memory_space<vmem>>
    %dma_start3A_7 = arith.constant 0 : i32
    %dma_start3A_8 = arith.constant 0 : i32
    %dma_start3A_9 = tpu.memref_slice %arg3[%dma_start3A_7, %dma_start3A_8] : memref<100000x64xf32, #tpu.memory_space<hbm>> -> memref<100000x64xf32, #tpu.memory_space<hbm>>
    tpu.enqueue_indirect_dma source(%dma_start3A_9 : memref<100000x64xf32, #tpu.memory_space<hbm>>) target(%dma_start3A_4 : memref<128x64xf32, #tpu.memory_space<vmem>>) offsets(%dma_start3A_6 : memref<128xi32, #tpu.memory_space<vmem>>) semaphore(%arg8 : memref<!tpu.dma_semaphore, #tpu.memory_space<semaphore_mem>>)
    %dma_start3A_10 = arith.constant 128 : i32
    %dma_start3A_11 = arith.constant 0 : i32
    %dma_start3A_12 = tpu.memref_slice %arg6[%dma_start3A_10, %dma_start3A_11] : memref<640x64xf32, #tpu.memory_space<vmem>> -> memref<128x64xf32, #tpu.memory_space<vmem>>
    %dma_start3A_13 = arith.constant 128 : i32
    %dma_start3A_14 = tpu.memref_slice %arg5[%dma_start3A_13] : memref<640xi32, #tpu.memory_space<vmem>> -> memref<128xi32, #tpu.memory_space<vmem>>
    %dma_start3A_15 = arith.constant 0 : i32
    %dma_start3A_16 = arith.constant 0 : i32
    %dma_start3A_17 = tpu.memref_slice %arg3[%dma_start3A_15, %dma_start3A_16] : memref<100000x64xf32, #tpu.memory_space<hbm>> -> memref<100000x64xf32, #tpu.memory_space<hbm>>
    tpu.enqueue_indirect_dma source(%dma_start3A_17 : memref<100000x64xf32, #tpu.memory_space<hbm>>) target(%dma_start3A_12 : memref<128x64xf32, #tpu.memory_space<vmem>>) offsets(%dma_start3A_14 : memref<128xi32, #tpu.memory_space<vmem>>) semaphore(%arg8 : memref<!tpu.dma_semaphore, #tpu.memory_space<semaphore_mem>>)
    %dma_start3A_18 = arith.constant 256 : i32
    %dma_start3A_19 = arith.constant 0 : i32
    %dma_start3A_20 = tpu.memref_slice %arg6[%dma_start3A_18, %dma_start3A_19] : memref<640x64xf32, #tpu.memory_space<vmem>> -> memref<128x64xf32, #tpu.memory_space<vmem>>
    %dma_start3A_21 = arith.constant 256 : i32
    %dma_start3A_22 = tpu.memref_slice %arg5[%dma_start3A_21] : memref<640xi32, #tpu.memory_space<vmem>> -> memref<128xi32, #tpu.memory_space<vmem>>
    %dma_start3A_23 = arith.constant 0 : i32
    %dma_start3A_24 = arith.constant 0 : i32
    %dma_start3A_25 = tpu.memref_slice %arg3[%dma_start3A_23, %dma_start3A_24] : memref<100000x64xf32, #tpu.memory_space<hbm>> -> memref<100000x64xf32, #tpu.memory_space<hbm>>
    tpu.enqueue_indirect_dma source(%dma_start3A_25 : memref<100000x64xf32, #tpu.memory_space<hbm>>) target(%dma_start3A_20 : memref<128x64xf32, #tpu.memory_space<vmem>>) offsets(%dma_start3A_22 : memref<128xi32, #tpu.memory_space<vmem>>) semaphore(%arg8 : memref<!tpu.dma_semaphore, #tpu.memory_space<semaphore_mem>>)
    %dma_start3A_26 = arith.constant 384 : i32
    %dma_start3A_27 = arith.constant 0 : i32
    %dma_start3A_28 = tpu.memref_slice %arg6[%dma_start3A_26, %dma_start3A_27] : memref<640x64xf32, #tpu.memory_space<vmem>> -> memref<128x64xf32, #tpu.memory_space<vmem>>
    %dma_start3A_29 = arith.constant 384 : i32
    %dma_start3A_30 = tpu.memref_slice %arg5[%dma_start3A_29] : memref<640xi32, #tpu.memory_space<vmem>> -> memref<128xi32, #tpu.memory_space<vmem>>
    %dma_start3A_31 = arith.constant 0 : i32
    %dma_start3A_32 = arith.constant 0 : i32
    %dma_start3A_33 = tpu.memref_slice %arg3[%dma_start3A_31, %dma_start3A_32] : memref<100000x64xf32, #tpu.memory_space<hbm>> -> memref<100000x64xf32, #tpu.memory_space<hbm>>
    tpu.enqueue_indirect_dma source(%dma_start3A_33 : memref<100000x64xf32, #tpu.memory_space<hbm>>) target(%dma_start3A_28 : memref<128x64xf32, #tpu.memory_space<vmem>>) offsets(%dma_start3A_30 : memref<128xi32, #tpu.memory_space<vmem>>) semaphore(%arg8 : memref<!tpu.dma_semaphore, #tpu.memory_space<semaphore_mem>>)
    %dma_start3A_34 = arith.constant 512 : i32
    %dma_start3A_35 = arith.constant 0 : i32
    %dma_start3A_36 = tpu.memref_slice %arg6[%dma_start3A_34, %dma_start3A_35] : memref<640x64xf32, #tpu.memory_space<vmem>> -> memref<128x64xf32, #tpu.memory_space<vmem>>
    %dma_start3A_37 = arith.constant 512 : i32
    %dma_start3A_38 = tpu.memref_slice %arg5[%dma_start3A_37] : memref<640xi32, #tpu.memory_space<vmem>> -> memref<128xi32, #tpu.memory_space<vmem>>
    %dma_start3A_39 = arith.constant 0 : i32
    %dma_start3A_40 = arith.constant 0 : i32
    %dma_start3A_41 = tpu.memref_slice %arg3[%dma_start3A_39, %dma_start3A_40] : memref<100000x64xf32, #tpu.memory_space<hbm>> -> memref<100000x64xf32, #tpu.memory_space<hbm>>
    tpu.enqueue_indirect_dma source(%dma_start3A_41 : memref<100000x64xf32, #tpu.memory_space<hbm>>) target(%dma_start3A_36 : memref<128x64xf32, #tpu.memory_space<vmem>>) offsets(%dma_start3A_38 : memref<128xi32, #tpu.memory_space<vmem>>) semaphore(%arg8 : memref<!tpu.dma_semaphore, #tpu.memory_space<semaphore_mem>>)
    %dma_wait3A = arith.constant 0 : i32
    %dma_wait3A_42 = arith.constant 0 : i32
    %dma_wait3A_43 = tpu.memref_slice %arg6[%dma_wait3A, %dma_wait3A_42] : memref<640x64xf32, #tpu.memory_space<vmem>> -> memref<128x64xf32, #tpu.memory_space<vmem>>
    %dma_wait3A_44 = arith.constant 0 : i32
    %dma_wait3A_45 = tpu.memref_slice %arg5[%dma_wait3A_44] : memref<640xi32, #tpu.memory_space<vmem>> -> memref<128xi32, #tpu.memory_space<vmem>>
    %dma_wait3A_46 = arith.constant 0 : i32
    %dma_wait3A_47 = arith.constant 0 : i32
    %dma_wait3A_48 = tpu.memref_slice %arg3[%dma_wait3A_46, %dma_wait3A_47] : memref<100000x64xf32, #tpu.memory_space<hbm>> -> memref<100000x64xf32, #tpu.memory_space<hbm>>
    tpu.wait_indirect_dma semaphore(%arg8 : memref<!tpu.dma_semaphore, #tpu.memory_space<semaphore_mem>>) src(%dma_wait3A_48 : memref<100000x64xf32, #tpu.memory_space<hbm>>) dst(%dma_wait3A_43 : memref<128x64xf32, #tpu.memory_space<vmem>>)
    %dma_wait3A_49 = arith.constant 128 : i32
    %dma_wait3A_50 = arith.constant 0 : i32
    %dma_wait3A_51 = tpu.memref_slice %arg6[%dma_wait3A_49, %dma_wait3A_50] : memref<640x64xf32, #tpu.memory_space<vmem>> -> memref<128x64xf32, #tpu.memory_space<vmem>>
    %dma_wait3A_52 = arith.constant 128 : i32
    %dma_wait3A_53 = tpu.memref_slice %arg5[%dma_wait3A_52] : memref<640xi32, #tpu.memory_space<vmem>> -> memref<128xi32, #tpu.memory_space<vmem>>
    %dma_wait3A_54 = arith.constant 0 : i32
    %dma_wait3A_55 = arith.constant 0 : i32
    %dma_wait3A_56 = tpu.memref_slice %arg3[%dma_wait3A_54, %dma_wait3A_55] : memref<100000x64xf32, #tpu.memory_space<hbm>> -> memref<100000x64xf32, #tpu.memory_space<hbm>>
    tpu.wait_indirect_dma semaphore(%arg8 : memref<!tpu.dma_semaphore, #tpu.memory_space<semaphore_mem>>) src(%dma_wait3A_56 : memref<100000x64xf32, #tpu.memory_space<hbm>>) dst(%dma_wait3A_51 : memref<128x64xf32, #tpu.memory_space<vmem>>)
    %dma_wait3A_57 = arith.constant 256 : i32
    %dma_wait3A_58 = arith.constant 0 : i32
    %dma_wait3A_59 = tpu.memref_slice %arg6[%dma_wait3A_57, %dma_wait3A_58] : memref<640x64xf32, #tpu.memory_space<vmem>> -> memref<128x64xf32, #tpu.memory_space<vmem>>
    %dma_wait3A_60 = arith.constant 256 : i32
    %dma_wait3A_61 = tpu.memref_slice %arg5[%dma_wait3A_60] : memref<640xi32, #tpu.memory_space<vmem>> -> memref<128xi32, #tpu.memory_space<vmem>>
    %dma_wait3A_62 = arith.constant 0 : i32
    %dma_wait3A_63 = arith.constant 0 : i32
    %dma_wait3A_64 = tpu.memref_slice %arg3[%dma_wait3A_62, %dma_wait3A_63] : memref<100000x64xf32, #tpu.memory_space<hbm>> -> memref<100000x64xf32, #tpu.memory_space<hbm>>
    tpu.wait_indirect_dma semaphore(%arg8 : memref<!tpu.dma_semaphore, #tpu.memory_space<semaphore_mem>>) src(%dma_wait3A_64 : memref<100000x64xf32, #tpu.memory_space<hbm>>) dst(%dma_wait3A_59 : memref<128x64xf32, #tpu.memory_space<vmem>>)
    %dma_wait3A_65 = arith.constant 384 : i32
    %dma_wait3A_66 = arith.constant 0 : i32
    %dma_wait3A_67 = tpu.memref_slice %arg6[%dma_wait3A_65, %dma_wait3A_66] : memref<640x64xf32, #tpu.memory_space<vmem>> -> memref<128x64xf32, #tpu.memory_space<vmem>>
    %dma_wait3A_68 = arith.constant 384 : i32
    %dma_wait3A_69 = tpu.memref_slice %arg5[%dma_wait3A_68] : memref<640xi32, #tpu.memory_space<vmem>> -> memref<128xi32, #tpu.memory_space<vmem>>
    %dma_wait3A_70 = arith.constant 0 : i32
    %dma_wait3A_71 = arith.constant 0 : i32
    %dma_wait3A_72 = tpu.memref_slice %arg3[%dma_wait3A_70, %dma_wait3A_71] : memref<100000x64xf32, #tpu.memory_space<hbm>> -> memref<100000x64xf32, #tpu.memory_space<hbm>>
    tpu.wait_indirect_dma semaphore(%arg8 : memref<!tpu.dma_semaphore, #tpu.memory_space<semaphore_mem>>) src(%dma_wait3A_72 : memref<100000x64xf32, #tpu.memory_space<hbm>>) dst(%dma_wait3A_67 : memref<128x64xf32, #tpu.memory_space<vmem>>)
    %dma_wait3A_73 = arith.constant 512 : i32
    %dma_wait3A_74 = arith.constant 0 : i32
    %dma_wait3A_75 = tpu.memref_slice %arg6[%dma_wait3A_73, %dma_wait3A_74] : memref<640x64xf32, #tpu.memory_space<vmem>> -> memref<128x64xf32, #tpu.memory_space<vmem>>
    %dma_wait3A_76 = arith.constant 512 : i32
    %dma_wait3A_77 = tpu.memref_slice %arg5[%dma_wait3A_76] : memref<640xi32, #tpu.memory_space<vmem>> -> memref<128xi32, #tpu.memory_space<vmem>>
    %dma_wait3A_78 = arith.constant 0 : i32
    %dma_wait3A_79 = arith.constant 0 : i32
    %dma_wait3A_80 = tpu.memref_slice %arg3[%dma_wait3A_78, %dma_wait3A_79] : memref<100000x64xf32, #tpu.memory_space<hbm>> -> memref<100000x64xf32, #tpu.memory_space<hbm>>
    tpu.wait_indirect_dma semaphore(%arg8 : memref<!tpu.dma_semaphore, #tpu.memory_space<semaphore_mem>>) src(%dma_wait3A_80 : memref<100000x64xf32, #tpu.memory_space<hbm>>) dst(%dma_wait3A_75 : memref<128x64xf32, #tpu.memory_space<vmem>>)
    %scan3A = arith.constant 0 : i32
    %scan3A_81 = arith.constant 0 : i32
    %scan3A_82 = arith.constant 32 : i32
    %scan3A_83 = arith.addi %scan3A_81, %scan3A_82 : i32
    %scan3A_84 = arith.constant 1 : i32
    %scan3A_85 = scf.for %scan3A_89 = %scan3A_81 to %scan3A_83 step %scan3A_84 iter_args(%scan3A_90 = %scan3A) -> (i32)  : i32 {
      %broadcast_in_dim3A = arith.constant 0.000000e+00 : f32
      %broadcast_in_dim3A_91 = vector.broadcast %broadcast_in_dim3A : f32 to vector<16xf32>
      %scan3A_92 = arith.constant 0 : i32
      %scan3A_93 = arith.constant 20 : i32
      %scan3A_94 = arith.addi %scan3A_92, %scan3A_93 : i32
      %scan3A_95 = arith.constant 1 : i32
      %scan3A_96 = scf.for %scan3A_142 = %scan3A_92 to %scan3A_94 step %scan3A_95 iter_args(%scan3A_143 = %broadcast_in_dim3A_91) -> (vector<16xf32>)  : i32 {
        %mul3A_144 = arith.constant 20 : i32
        %mul3A_145 = arith.muli %scan3A_89, %mul3A_144 : i32
        %add3A_146 = arith.addi %mul3A_145, %scan3A_142 : i32
        %get3A = arith.index_cast %add3A_146 : i32 to index
        %get3A_147 = arith.constant 0 : index
        %get3A_148 = tpu.vector_load %arg6[%get3A, %get3A_147] {strides = array<i32>} : memref<640x64xf32, #tpu.memory_space<vmem>>, vector<1x16xf32>,
        %get3A_149 = vector.shape_cast %get3A_148 : vector<1x16xf32> to vector<16xf32>
        %add3A_150 = arith.addf %scan3A_143, %get3A_149 : vector<16xf32>
        scf.yield %add3A_150 : vector<16xf32>
      }
      %scan3A_97 = arith.constant 20 : i32
      %swap3A = arith.index_cast %scan3A_89 : i32 to index
      %swap3A_98 = arith.constant 0 : index
      %swap3A_99 = tpu.vector_load %arg7[%swap3A, %swap3A_98] {strides = array<i32>} : memref<32x64xf32, #tpu.memory_space<vmem>>, vector<1x16xf32>,
      %swap3A_100 = vector.shape_cast %swap3A_99 : vector<1x16xf32> to vector<16xf32>
      %swap3A_101 = vector.shape_cast %scan3A_96 : vector<16xf32> to vector<1x16xf32>
      tpu.vector_store %arg7[%swap3A, %swap3A_98], %swap3A_101 {strides = array<i32>} : memref<32x64xf32, #tpu.memory_space<vmem>>, vector<1x16xf32>,
      %broadcast_in_dim3A_102 = arith.constant 0.000000e+00 : f32
      %broadcast_in_dim3A_103 = vector.broadcast %broadcast_in_dim3A_102 : f32 to vector<16xf32>
      %scan3A_104 = arith.constant 0 : i32
      %scan3A_105 = arith.constant 20 : i32
      %scan3A_106 = arith.addi %scan3A_104, %scan3A_105 : i32
      %scan3A_107 = arith.constant 1 : i32
      %scan3A_108 = scf.for %scan3A_142 = %scan3A_104 to %scan3A_106 step %scan3A_107 iter_args(%scan3A_143 = %broadcast_in_dim3A_103) -> (vector<16xf32>)  : i32 {
        %mul3A_144 = arith.constant 20 : i32
        %mul3A_145 = arith.muli %scan3A_89, %mul3A_144 : i32
        %add3A_146 = arith.addi %mul3A_145, %scan3A_142 : i32
        %get3A = arith.index_cast %add3A_146 : i32 to index
        %get3A_147 = arith.constant 16 : index
        %get3A_148 = tpu.vector_load %arg6[%get3A, %get3A_147] {strides = array<i32>} : memref<640x64xf32, #tpu.memory_space<vmem>>, vector<1x16xf32>,
        %get3A_149 = vector.shape_cast %get3A_148 : vector<1x16xf32> to vector<16xf32>
        %add3A_150 = arith.addf %scan3A_143, %get3A_149 : vector<16xf32>
        scf.yield %add3A_150 : vector<16xf32>
      }
      %scan3A_109 = arith.constant 20 : i32
      %swap3A_110 = arith.index_cast %scan3A_89 : i32 to index
      %swap3A_111 = arith.constant 16 : index
      %swap3A_112 = tpu.vector_load %arg7[%swap3A_110, %swap3A_111] {strides = array<i32>} : memref<32x64xf32, #tpu.memory_space<vmem>>, vector<1x16xf32>,
      %swap3A_113 = vector.shape_cast %swap3A_112 : vector<1x16xf32> to vector<16xf32>
      %swap3A_114 = vector.shape_cast %scan3A_108 : vector<16xf32> to vector<1x16xf32>
      tpu.vector_store %arg7[%swap3A_110, %swap3A_111], %swap3A_114 {strides = array<i32>} : memref<32x64xf32, #tpu.memory_space<vmem>>, vector<1x16xf32>,
      %broadcast_in_dim3A_115 = arith.constant 0.000000e+00 : f32
      %broadcast_in_dim3A_116 = vector.broadcast %broadcast_in_dim3A_115 : f32 to vector<16xf32>
      %scan3A_117 = arith.constant 0 : i32
      %scan3A_118 = arith.constant 20 : i32
      %scan3A_119 = arith.addi %scan3A_117, %scan3A_118 : i32
      %scan3A_120 = arith.constant 1 : i32
      %scan3A_121 = scf.for %scan3A_142 = %scan3A_117 to %scan3A_119 step %scan3A_120 iter_args(%scan3A_143 = %broadcast_in_dim3A_116) -> (vector<16xf32>)  : i32 {
        %mul3A_144 = arith.constant 20 : i32
        %mul3A_145 = arith.muli %scan3A_89, %mul3A_144 : i32
        %add3A_146 = arith.addi %mul3A_145, %scan3A_142 : i32
        %get3A = arith.index_cast %add3A_146 : i32 to index
        %get3A_147 = arith.constant 32 : index
        %get3A_148 = tpu.vector_load %arg6[%get3A, %get3A_147] {strides = array<i32>} : memref<640x64xf32, #tpu.memory_space<vmem>>, vector<1x16xf32>,
        %get3A_149 = vector.shape_cast %get3A_148 : vector<1x16xf32> to vector<16xf32>
        %add3A_150 = arith.addf %scan3A_143, %get3A_149 : vector<16xf32>
        scf.yield %add3A_150 : vector<16xf32>
      }
      %scan3A_122 = arith.constant 20 : i32
      %swap3A_123 = arith.index_cast %scan3A_89 : i32 to index
      %swap3A_124 = arith.constant 32 : index
      %swap3A_125 = tpu.vector_load %arg7[%swap3A_123, %swap3A_124] {strides = array<i32>} : memref<32x64xf32, #tpu.memory_space<vmem>>, vector<1x16xf32>,
      %swap3A_126 = vector.shape_cast %swap3A_125 : vector<1x16xf32> to vector<16xf32>
      %swap3A_127 = vector.shape_cast %scan3A_121 : vector<16xf32> to vector<1x16xf32>
      tpu.vector_store %arg7[%swap3A_123, %swap3A_124], %swap3A_127 {strides = array<i32>} : memref<32x64xf32, #tpu.memory_space<vmem>>, vector<1x16xf32>,
      %broadcast_in_dim3A_128 = arith.constant 0.000000e+00 : f32
      %broadcast_in_dim3A_129 = vector.broadcast %broadcast_in_dim3A_128 : f32 to vector<16xf32>
      %scan3A_130 = arith.constant 0 : i32
      %scan3A_131 = arith.constant 20 : i32
      %scan3A_132 = arith.addi %scan3A_130, %scan3A_131 : i32
      %scan3A_133 = arith.constant 1 : i32
      %scan3A_134 = scf.for %scan3A_142 = %scan3A_130 to %scan3A_132 step %scan3A_133 iter_args(%scan3A_143 = %broadcast_in_dim3A_129) -> (vector<16xf32>)  : i32 {
        %mul3A_144 = arith.constant 20 : i32
        %mul3A_145 = arith.muli %scan3A_89, %mul3A_144 : i32
        %add3A_146 = arith.addi %mul3A_145, %scan3A_142 : i32
        %get3A = arith.index_cast %add3A_146 : i32 to index
        %get3A_147 = arith.constant 48 : index
        %get3A_148 = tpu.vector_load %arg6[%get3A, %get3A_147] {strides = array<i32>} : memref<640x64xf32, #tpu.memory_space<vmem>>, vector<1x16xf32>,
        %get3A_149 = vector.shape_cast %get3A_148 : vector<1x16xf32> to vector<16xf32>
        %add3A_150 = arith.addf %scan3A_143, %get3A_149 : vector<16xf32>
        scf.yield %add3A_150 : vector<16xf32>
      }
      %scan3A_135 = arith.constant 20 : i32
      %swap3A_136 = arith.index_cast %scan3A_89 : i32 to index
      %swap3A_137 = arith.constant 48 : index
      %swap3A_138 = tpu.vector_load %arg7[%swap3A_136, %swap3A_137] {strides = array<i32>} : memref<32x64xf32, #tpu.memory_space<vmem>>, vector<1x16xf32>,
      %swap3A_139 = vector.shape_cast %swap3A_138 : vector<1x16xf32> to vector<16xf32>
      %swap3A_140 = vector.shape_cast %scan3A_134 : vector<16xf32> to vector<1x16xf32>
      tpu.vector_store %arg7[%swap3A_136, %swap3A_137], %swap3A_140 {strides = array<i32>} : memref<32x64xf32, #tpu.memory_space<vmem>>, vector<1x16xf32>,
      %scan3A_141 = arith.constant 0 : i32
      scf.yield %scan3A_141 : i32
    }
    %scan3A_86 = arith.constant 32 : i32
    %mul3A_87 = arith.constant 32 : i32
    %mul3A_88 = arith.muli %add3A, %mul3A_87 : i32
    "tpu.region"() ({
      %run_scoped3A = tpu.sem_alloc : memref<!tpu.dma_semaphore, #tpu.memory_space<semaphore_mem>>
      %dma_start3A_89 = arith.constant 0 : i32
      %dma_start3A_90 = tpu.memref_slice %arg4[%mul3A_88, %dma_start3A_89] : memref<1024x64xf32, #tpu.memory_space<hbm>> -> memref<32x64xf32, #tpu.memory_space<hbm>>
      %dma_start3A_91 = arith.constant 0 : i32
      %dma_start3A_92 = tpu.memref_slice %arg4[%mul3A_88, %dma_start3A_91] : memref<1024x64xf32, #tpu.memory_space<hbm>> -> memref<32x64xf32, #tpu.memory_space<hbm>>
      tpu.enqueue_dma source(%arg7 : memref<32x64xf32, #tpu.memory_space<vmem>>) target(%dma_start3A_92 : memref<32x64xf32, #tpu.memory_space<hbm>>) target_semaphore(%run_scoped3A : memref<!tpu.dma_semaphore, #tpu.memory_space<semaphore_mem>>)
      %dma_wait3A_93 = arith.constant 0 : i32
      %dma_wait3A_94 = tpu.memref_slice %arg4[%mul3A_88, %dma_wait3A_93] : memref<1024x64xf32, #tpu.memory_space<hbm>> -> memref<32x64xf32, #tpu.memory_space<hbm>>
      %dma_wait3A_95 = arith.constant 0 : i32
      %dma_wait3A_96 = tpu.memref_slice %arg4[%mul3A_88, %dma_wait3A_95] : memref<1024x64xf32, #tpu.memory_space<hbm>> -> memref<32x64xf32, #tpu.memory_space<hbm>>
      tpu.wait_dma2 semaphore(%run_scoped3A : memref<!tpu.dma_semaphore, #tpu.memory_space<semaphore_mem>>) src(%arg7 : memref<32x64xf32, #tpu.memory_space<vmem>>) dst(%dma_wait3A_96 : memref<32x64xf32, #tpu.memory_space<hbm>>)
      tpu.yield
    }) : () -> ()
    return
  }
}

module attributes {stable_mosaic.version = 14 : i64} {
  func.func @_matmul_kernel(%arg0: i32, %arg1: memref<1024x64xf32, #tpu.memory_space<vmem>>, %arg2: memref<64x1024xf32, #tpu.memory_space<vmem>>, %arg3: memref<1x1024xf32, #tpu.memory_space<vmem>>, %arg4: memref<1024x1024xf32, #tpu.memory_space<vmem>>) attributes {dimension_semantics = [#tpu.dimension_semantics<arbitrary>], iteration_bounds = array<i64: 98>, scalar_prefetch = 0 : i64, scratch_operands = 0 : i64, tpu.core_type = #tpu.core_type<tc>, window_params = [{pipeline_mode = #tpu.pipeline_mode<synchronous>, transform_indices = @transform_0, window_bounds = array<i64: 1024, 64>}, {transform_indices = @transform_1, window_bounds = array<i64: 64, 1024>}, {transform_indices = @transform_2, window_bounds = array<i64: 1, 1024>}, {transform_indices = @transform_3, window_bounds = array<i64: 1024, 1024>}]} {
    %get3A = arith.constant 0 : index
    %get3A_0 = arith.constant 0 : index
    %get3A_1 = vector.load %arg2[%get3A, %get3A_0] : memref<64x1024xf32, #tpu.memory_space<vmem>>, vector<64x1024xf32>
    %get3A_2 = arith.constant 0 : index
    %get3A_3 = arith.constant 0 : index
    %get3A_4 = vector.load %arg1[%get3A_2, %get3A_3] : memref<1024x64xf32, #tpu.memory_space<vmem>>, vector<1024x64xf32>
    %dot_general3A = arith.constant dense<0.000000e+00> : vector<1024x1024xf32>
    %dot_general3A_5 = tpu.matmul %get3A_1, %get3A_4, %dot_general3A {dimension_numbers = #tpu.dot_dimension_numbers<[0], [1], [1], [0], [0, 1, 1, 0], [], []>, transpose_lhs_hint = false} : vector<64x1024xf32>, vector<1024x64xf32>, vector<1024x1024xf32> -> vector<1024x1024xf32>
    %get3A_6 = arith.constant 0 : index
    %get3A_7 = arith.constant 0 : index
    %get3A_8 = vector.load %arg3[%get3A_6, %get3A_7] : memref<1x1024xf32, #tpu.memory_space<vmem>>, vector<1x1024xf32>
    %broadcast_in_dim3A = arith.constant 1.000000e+00 : f32
    %broadcast_in_dim3A_9 = vector.broadcast %broadcast_in_dim3A : f32 to vector<1x1024xf32>
    %dot_general3A_10 = arith.constant dense<0.000000e+00> : vector<1024x1024xf32>
    %dot_general3A_11 = tpu.matmul %get3A_8, %broadcast_in_dim3A_9, %dot_general3A_10 {dimension_numbers = #tpu.dot_dimension_numbers<[0], [0], [1], [1], [0, 1, 1, 1], [], []>, transpose_lhs_hint = false} : vector<1x1024xf32>, vector<1x1024xf32>, vector<1024x1024xf32> -> vector<1024x1024xf32>
    %add3A = arith.addf %dot_general3A_5, %dot_general3A_11 : vector<1024x1024xf32>
    %swap3A = arith.constant 0 : index
    %swap3A_12 = arith.constant 0 : index
    %swap3A_13 = vector.load %arg4[%swap3A, %swap3A_12] : memref<1024x1024xf32, #tpu.memory_space<vmem>>, vector<1024x1024xf32>
    tpu.vector_store %arg4[%swap3A, %swap3A_12], %add3A {strides = array<i32>} : memref<1024x1024xf32, #tpu.memory_space<vmem>>, vector<1024x1024xf32>,
    return
  }
  func.func @transform_0(%arg0: i32) -> (i32, i32) {
    %c0_i32 = arith.constant 0 : i32
    %c0_i32_0 = arith.constant 0 : i32
    %c0_i32_1 = arith.constant 0 : i32
    return %c0_i32, %c0_i32_0 : i32, i32
  }
  func.func @transform_1(%arg0: i32) -> (i32, i32) {
    %c0_i32 = arith.constant 0 : i32
    %c0_i32_0 = arith.constant 0 : i32
    return %c0_i32, %arg0 : i32, i32
  }
  func.func @transform_2(%arg0: i32) -> (i32, i32) {
    %c0_i32 = arith.constant 0 : i32
    %c0_i32_0 = arith.constant 0 : i32
    return %c0_i32, %arg0 : i32, i32
  }
  func.func @transform_3(%arg0: i32) -> (i32, i32) {
    %c0_i32 = arith.constant 0 : i32
    %c0_i32_0 = arith.constant 0 : i32
    return %arg0, %c0_i32 : i32, i32
  }
}

</mosaic_0001>

<sc_bundles>
// kernel: kernel.4.cloned.1.call-start
scs
__scs_entry_jumppad:
0x0: {  	(pc) =	sbr.rel $0x88, $3  }
0x1: {  	(tag) =	ssettag $0x0;
	lr =	simm.s32 $0x1  }
0x2: {  	[smem:$0x3F9D] =	sst lr;
	_ =	strace $0xD0000000  }
0x3: {  	_ = 	snop  }
0x4: {  	_ = 	snop  }
0x5: {  	_ = 	snop  }
0x6: {  	_ = 	snop  }
0x7: {  	_ = 	snop  }
__scs_overlays_trampoline_lowered:
0x8: {  	[smem:$0x3FAC] =	sst s0  }
0x9: {  	[smem:$0x3FAD] =	sst s1  }
0xa: {  	[smem:$0x3FAE] =	sst s2  }
0xb: {  	[smem:$0x3FAF] =	sst s3  }
0xc: {  	[smem:$0x3FB0] =	sst s4  }
0xd: {  	[smem:$0x3FB1] =	sst s5  }
0xe: {  	[smem:$0x3FB2] =	sst s6  }
0xf: {  	[smem:$0x3FB3] =	sst s7  }
0x10: {  	[smem:$0x3FB4] =	sst s8  }
0x11: {  	[smem:$0x3FB5] =	sst s9;
	s0 =	simm.s32 @!p0 $0x0  }
0x12: {  	s1 =	sld [smem:$0x3F9B];
	s0 =	simm.s32 @p0 $0x1  }
0x13: {  	[smem:$0x3FB6] =	sst s0;
	s0 =	simm.s32 @!p1 $0x0  }
0x14: {  	s2 =	sld [smem:$0x3F9A];
	s0 =	simm.s32 @p1 $0x1  }
0x15: {  	[smem:$0x3FB7] =	sst s0;
	s0 =	simm.s32 @!p2 $0x0  }
0x16: {  	s3 =	sld [smem:$0x3FDB];
	s0 =	simm.s32 @p2 $0x1  }
0x17: {  	s4 =	simm.s32 $0x1BF5;
	[smem:$0x3FB9] =	sst s0  }
0x18: {  	s0 =	sld [smem:$0x3F9C];
	_ =	swait.ge [sflag:s4], $0x0  }
0x19: {  	s7 =	sld [smem:$0x3F9D]  }
0x1a: {  	s8 =	sadd.s32 $0xFFFFE003, lr  }
0x1b: {  	s9 =	sadd.s32 $0xFFFFFEF7, lr;
	s5 =	simm.s32 $0xFFFFFFFF;
	p2 =	slt.u32 s8, $0xFFFFF086  }
0x1c: {  	p1 =	slt.u32 s9, $0xF7A;
	s5 =	simm.s32 @!p2 $0x0  }
0x1d: {  	s5 =	simm.s32 @p1 $0x1;
	p0 =	seq.s32 s7, s2  }
0x1e: {  	s7 =	smul.u32 @!p0 $0xF7A, s2;
	p2 =	seq.s32 @!p0 s5, $0x0  }
0x1f: {  	s9 =	smul.u32 $0xF7A, s1;
	s8 =	simm.s32 @!p0 $0x1BF5;
	p2 =	por !p2, p0  }
0x20: {  	[sflag:s8] =	ssyncset.s32 @!p0 $0xFFFFF086;
	s6 =	sadd.s32 @!p0 s3, s7;
	s7 =	simm.s32 @!p0 $0x108  }
0x21: {  	s3 =	sadd.s32 s3, s9;
	s6 =	sadd.s32 @!p0 $0x88, s6;
	s7 =	simm.s32 @p2 $0x1082  }
0x22: {  	[simem:s7], [sflag:s8] =	dma.local @!p0 [hbm:s6], $0xF7A  }
0x23: {  	s9 =	sor.u32 $0xD0000000, s2;
	s6 =	simm.s32 $0x108;
	_ =	swait.ge @!p0 [sflag:s8], $0x0  }
0x24: {  	s3 =	sadd.s32 $0x88, s3;
	s6 =	simm.s32 @!p1 $0x1082;
	[sflag:s4] =	ssyncset.s32 $0xFFFFF086  }
0x25: {  	[simem:s6], [sflag:s4] =	dma.local [hbm:s3], $0xF7A  }
0x26: {  	[smem:$0x3F9D] =	sst s1;
	(tag) =	ssettag s2;
	_ =	strace s9  }
0x27: {  	s1 =	sld [smem:$0x3FAD]  }
0x28: {  	s2 =	sld [smem:$0x3FAE]  }
0x29: {  	s4 =	sld [smem:$0x3FB0]  }
0x2a: {  	p0 =	seq.s32 s5, $0x0;
	s5 =	sld [smem:$0x3FB1]  }
0x2b: {  	s6 =	sld [smem:$0x3FB2]  }
0x2c: {  	s7 =	sld [smem:$0x3FB3]  }
0x2d: {  	s3 =	simm.s32 $0x108;
	s8 =	sld [smem:$0x3FB4]  }
0x2e: {  	s3 =	simm.s32 @!p0 $0x1082;
	s9 =	sld [smem:$0x3FB5]  }
0x2f: {  	lr =	sadd.s32 s0, s3;
	s0 =	sld [smem:$0x3FAC]  }
0x30: {  	s3 =	sld [smem:$0x3FAF]  }
0x31: {  	[smem:$0x3FB8] =	sst s10  }
0x32: {  	s10 =	sld [smem:$0x3FB6];
	_ =	sdelay $0x3  }
0x33: {  	p0 =	seq.s32 s10, $0x1;
	s10 =	sld [smem:$0x3FB8];
	_ =	sdelay $0x3  }
0x34: {  	[smem:$0x3FB8] =	sst s10  }
0x35: {  	s10 =	sld [smem:$0x3FB7];
	_ =	sdelay $0x3  }
0x36: {  	p1 =	seq.s32 s10, $0x1;
	s10 =	sld [smem:$0x3FB8];
	_ =	sdelay $0x3  }
0x37: {  	[smem:$0x3FB8] =	sst s10  }
0x38: {  	s10 =	sld [smem:$0x3FB9]  }
0x39: {  	_ = 	snop;
	(pc) =	sbr.ind lr, $3  }
0x3a: {  	_ = 	snop  }
0x3b: {  	_ = 	snop  }
0x3c: {  	p2 =	seq.s32 s10, $0x1;
	s10 =	sld [smem:$0x3FB8]  }
0x3d: {  	_ =	shalt  }
0x3e: {  	_ =	shalt  }
0x3f: {  	_ =	shalt  }
0x40: {  	_ =	shalt  }
0x41: {  	_ =	shalt  }
0x42: {  	_ =	shalt  }
0x43: {  	_ =	shalt  }
0x44: {  	_ =	shalt  }
0x45: {  	_ =	shalt  }
0x46: {  	_ =	shalt  }
0x47: {  	_ =	shalt  }
0x48: {  	_ =	shalt  }
0x49: {  	_ =	shalt  }
0x4a: {  	_ =	shalt  }
0x4b: {  	_ =	shalt  }
0x4c: {  	_ =	shalt  }
0x4d: {  	_ =	shalt  }
0x4e: {  	_ =	shalt  }
0x4f: {  	_ =	shalt  }
0x50: {  	_ =	shalt  }
0x51: {  	_ =	shalt  }
0x52: {  	_ =	shalt  }
0x53: {  	_ =	shalt  }
0x54: {  	_ =	shalt  }
0x55: {  	_ =	shalt  }
0x56: {  	_ =	shalt  }
0x57: {  	_ =	shalt  }
0x58: {  	_ =	shalt  }
0x59: {  	_ =	shalt  }
0x5a: {  	_ =	shalt  }
0x5b: {  	_ =	shalt  }
0x5c: {  	_ =	shalt  }
0x5d: {  	_ =	shalt  }
0x5e: {  	_ =	shalt  }
0x5f: {  	_ =	shalt  }
0x60: {  	_ =	shalt  }
0x61: {  	_ =	shalt  }
0x62: {  	_ =	shalt  }
0x63: {  	_ =	shalt  }
0x64: {  	_ =	shalt  }
0x65: {  	_ =	shalt  }
0x66: {  	_ =	shalt  }
0x67: {  	_ =	shalt  }
0x68: {  	_ =	shalt  }
0x69: {  	_ =	shalt  }
0x6a: {  	_ =	shalt  }
0x6b: {  	_ =	shalt  }
0x6c: {  	_ =	shalt  }
0x6d: {  	_ =	shalt  }
0x6e: {  	_ =	shalt  }
0x6f: {  	_ =	shalt  }
0x70: {  	_ =	shalt  }
0x71: {  	_ =	shalt  }
0x72: {  	_ =	shalt  }
0x73: {  	_ =	shalt  }
0x74: {  	_ =	shalt  }
0x75: {  	_ =	shalt  }
0x76: {  	_ =	shalt  }
0x77: {  	_ =	shalt  }
0x78: {  	_ =	shalt  }
0x79: {  	_ =	shalt  }
0x7a: {  	_ =	shalt  }
0x7b: {  	_ =	shalt  }
0x7c: {  	_ =	shalt  }
0x7d: {  	_ =	shalt  }
0x7e: {  	_ =	shalt  }
0x7f: {  	_ =	shalt  }
0x80: {  	_ =	shalt  }
0x81: {  	_ =	shalt  }
0x82: {  	_ =	shalt  }
0x83: {  	_ =	shalt  }
0x84: {  	_ =	shalt  }
0x85: {  	_ =	shalt  }
0x86: {  	_ =	shalt  }
0x87: {  	_ =	shalt  }
.Lfunc_end0:
.L_simem_size_0:
called_computation_lowered:
.L_overlay_start_0:
0x88: {  	s2 =	sld [smem:$0x3FD9]  }
0x89: {  	s3 =	sld [smem:$0x3FFE];
	_ =	sdelay $0x1  }
0x8a: {  	s1 =	srdreg.scid  }
0x8b: {  	s0 =	sand.u32 $0x1, s1  }
0x8c: {  	s17 =	sshll.u32 s0, $0xA;
	s2 =	sadd.s32 s3, s2  }
0x8d: {  	s2 =	sadd.s32 s2, s17  }
0x8e: {  	[smem:$0x3FC4] =	sst s2  }
0x8f: {  	_ = 	snop  }
0x90: {  	s2 =	sld [smem:$0x3FD0];
	(tm) =	ssettm $0x1  }
0x91: {  	s18 =	sld [smem:$0x3FFB];
	_ =	sdelay $0x3  }
0x92: {  	_ =	strace s18  }
0x93: {  	s3 =	sld [smem:$0x3FFC];
	_ =	sdelay $0x3  }
0x94: {  	_ =	strace s3  }
0x95: {  	s3 =	sld [smem:$0x3FFD];
	_ =	sdelay $0x3  }
0x96: {  	_ =	strace s3  }
0x97: {  	_ =	strace $0x8FFFFFFF  }
0x98: {  	s19 =	sld [smem:$0x3FDB];
	_ =	sdelay $0x1  }
0x99: {  	s4 =	simm.s32 $_scs_section_size  }
0x9a: {  	s5 =	simm.s32 $_size__tile_overlayer_lowered;
	s6 =	simm.s32 $_tile_overlayer_lowered  }
0x9b: {  	s22 =	simm.s32 $0x1BFF;
	s21 =	sshll.u32 s6, $0x1;
	s3 =	sadd.s32 s4, s19  }
0x9c: {  	s7 =	simm.s32 $0x0;
	s20 =	sshll.u32 s5, $0x1;
	s5 =	sadd.s32 s21, s3  }
0x9d: {  	[timem:s7], [sflag:s22] =	dma.local [hbm:s5], s20  }
0x9e: {  	_ =	swait.ge [sflag:s22], s20  }
0x9f: {  	s4 =	ssub.s32 $0x0, s20;
	[sflag:s22] =	ssyncset.done $0x0  }
0xa0: {  	[sflag:s22] =	ssyncadd.s32 s4;
	_ =	sdelay $0x1  }
0xa1: {  	s23 =	simm.s32 $0x1B8B  }
0xa2: {  	_ =	swait.ge [sflag:s23], $0x1  }
0xa3: {  	[sflag:s23] =	ssyncset.done $0x0  }
0xa4: {  	s25 =	simm.s32 $0x1B8E;
	s24 =	sld [smem:$0x3FFE];
	[sflag:s23] =	ssyncadd.s32 $0xFFFFFFFF  }
0xa5: {  	s26 =	simm.s32 $execute0_lowered;
	[smem:$0x3FD2] =	sst s25  }
0xa6: {  	s5 =	sshll.u32 s26, $0x1;
	_ =	strace $0x80000046;
	[dreg:$0x1] =	wrdreg $0xFFFFFFFF  }
0xa7: {  	s28 =	simm.s32 $_size_execute0_lowered;
	s3 =	sadd.s32 s3, s5;
	[dreg:$0x0] =	wrdreg $0x0  }
0xa8: {  	s5 =	sshll.u32 s28, $0x1;
	[dreg:$0x2] =	wrdreg s3  }
0xa9: {  	[dreg:$0x3] =	wrdreg s5  }
0xaa: {  	[dreg:$0x4] =	wrdreg $0xC0  }
0xab: {  	_ =	task [dreg:s7], $0x5FFFF  }
0xac: {  	[dreg:$0x1] =	wrdreg $0xFFFFFFFF  }
0xad: {  	[dreg:$0x0] =	wrdreg $0x60  }
0xae: {  	[dreg:$0x2] =	wrdreg s24  }
0xaf: {  	[dreg:$0x3] =	wrdreg s2  }
0xb0: {  	[dreg:$0x4] =	wrdreg $0x9  }
0xb1: {  	_ =	task.clear_ibuf [dreg:s7], $0x5FFFF;
	_ =	strace $0x90000046  }
0xb2: {  	s29 =	simm.s32 $0x9;
	_ =	strace $0x80000048  }
0xb3: {  	_ =	swait.ge [sflag:s29], $0x1  }
0xb4: {  	[sflag:s29] =	ssyncadd.s32 $0xFFFFFFFF  }
0xb5: {  	_ =	strace $0x90000048  }
0xb6: {  	_ =	sfence  }
0xb7: {  	s30 =	sld [smem:$0x0];
	_ =	sdelay $0x2  }
0xb8: {  	s31 =	sshll.u32 s1, $0xD;
	s1 =	sshrl.u32 s1, $0x2  }
0xb9: {  	s3 =	sand.u32 $0x4000, s31;
	s1 =	sadd.s32 s1, s30  }
0xba: {  	s0 =	sor.u32 s3, s0;
	s1 =	sshll.u32 s1, $0x11  }
0xbb: {  	s0 =	sor.u32 s1, s0  }
0xbc: {  	s0 =	sadd.s32 $0x8F2B, s0  }
0xbd: {  	[sflag:s0] =	ssyncadd.remote.s32 $0x1  }
0xbe: {  	_ =	sfence.sel $0xFFFF  }
0xbf: {  	[dreg:$0x0] =	wrdreg $0xFFFFFFFF;
	(pc) =	sbr.abs _section_cstart, $3  }
0xc0: {  	[dreg:$0x1] =	wrdreg $0xFFFFFFFF  }
0xc1: {  	_ =	task.clear_ibuf [dreg:s7], $0x2FFFF;
	_ =	strace $0x9FFFFFFF  }
0xc2: {  	(tm) =	ssettm $0x7FFFFFFF  }
0xc3: {  	_ =	shalt  }
tec
execute0_lowered:
.L_overlay_start_1:
0x0: {  	(tag) =	ssettag $0x1  }
0x1: {  	s3 =	rddreg [dreg:$0x0];
	s1 =	srdreg.scid  }
0x2: {  	s0 =	stileid.u32;
	s5 =	rddreg [dreg:$0x1]  }
0x3: {  	s2 =	simm.s32 $0x0;
	s9 =	simm.s32 $0x280;
	s10 =	simm.s32 $0x2280  }
0x4: {  	s11 =	simm.s32 $0x100;
	s12 =	simm.s32 $0x4280;
	s13 =	simm.s32 $0x180  }
0x5: {  	s14 =	simm.s32 $0x6280;
	s15 =	simm.s32 $0x200;
	s16 =	simm.s32 $0x8280  }
0x6: {  	s17 =	simm.s32 $0x1;
	s18 =	simm.s32 $0xA280;
	s19 =	simm.s32 $0x0  }
0x7: {  	s4 =	sand.u32 $0x1, s1;
	s6 =	sshll.u32 s0, $0x1;
	s1 =	rddreg [dreg:$0x2]  }
0x8: {  	[smem:$0x7FF] =	sst s2;
	s6 =	sor.u32 s4, s6;
	s4 =	ssub.s32 $0x2, s4  }
0x9: {  	s7 =	smul.u32 $0x50, s6;
	s8 =	sshrl.u32 s4, $0x1;
	s6 =	sshll.u32 s6, $0x8  }
0xa: {  	_ =	strace $0x80000047;
	s8 =	ssub.s32 s4, s8;
	s5 =	sadd.s32 s5, s6  }
0xb: {  	s7 =	sadd.s32 s7, s3;
	s3 =	sadd.s32 $0x1000, s3;
	s6 =	smax.u32 s8, $0x1  }
0xc: {  	s8 =	simm.s32 $0x80;
	s4 =	sadd.s32 $0x600, s7;
	s7 =	simm.s32 $0x2  }
.LBB2_1:
0xd: {  	[tilespmem:s2], [sflag:$0x2] =	stream.linear.gather [hbm4b:s4+s2], $0x280, $0x38;
	[tilespmem:$0xAA80] =	vst v63  }
0xe: {  	_ =	swait.ge [sflag:s7], $0x280  }
0xf: {  	[sflag:s7] =	ssyncset.done $0x0  }
0x10: {  	[sflag:s7] =	ssyncadd.s32 $0xFFFFFD80  }
0x11: {  	[tilespmem:s9], [sflag:$0x1] =	stream.indirect.gather [hbm4b:s3+s8], $0x40, s2, s8, $0xb8;
	[tilespmem:$0xAA80] =	vst v63  }
0x12: {  	_ = 	snop  }
0x13: {  	[tilespmem:s10], [sflag:$0x1] =	stream.indirect.gather [hbm4b:s3+s8], $0x40, s8, s8, $0xb8;
	[tilespmem:$0xAA80] =	vst v63  }
0x14: {  	_ = 	snop  }
0x15: {  	[tilespmem:s12], [sflag:$0x1] =	stream.indirect.gather [hbm4b:s3+s8], $0x40, s11, s8, $0xb8;
	[tilespmem:$0xAA80] =	vst v63  }
0x16: {  	_ = 	snop  }
0x17: {  	[tilespmem:s14], [sflag:$0x1] =	stream.indirect.gather [hbm4b:s3+s8], $0x40, s13, s8, $0xb8;
	[tilespmem:$0xAA80] =	vst v63  }
0x18: {  	_ = 	snop  }
0x19: {  	[tilespmem:s16], [sflag:$0x1] =	stream.indirect.gather [hbm4b:s3+s8], $0x40, s15, s8, $0xb8;
	[tilespmem:$0xAA80] =	vst v63  }
0x1a: {  	_ =	swait.ge [sflag:s17], $0x2000  }
0x1b: {  	[sflag:s17] =	ssyncset.done $0x0  }
0x1c: {  	[sflag:s17] =	ssyncadd.s32 $0xFFFFE000  }
0x1d: {  	_ =	swait.ge [sflag:s17], $0x2000  }
0x1e: {  	[sflag:s17] =	ssyncset.done $0x0  }
0x1f: {  	[sflag:s17] =	ssyncadd.s32 $0xFFFFE000  }
0x20: {  	_ =	swait.ge [sflag:s17], $0x2000  }
0x21: {  	[sflag:s17] =	ssyncset.done $0x0  }
0x22: {  	[sflag:s17] =	ssyncadd.s32 $0xFFFFE000  }
0x23: {  	_ =	swait.ge [sflag:s17], $0x2000  }
0x24: {  	[sflag:s17] =	ssyncset.done $0x0  }
0x25: {  	[sflag:s17] =	ssyncadd.s32 $0xFFFFE000  }
0x26: {  	_ =	swait.ge [sflag:s17], $0x2000  }
0x27: {  	[sflag:s17] =	ssyncset.done $0x0  }
0x28: {  	s20 =	simm.s32 $0x500;
	[sflag:s17] =	ssyncadd.s32 $0xFFFFE000  }
0x29: {  	v0 =	vld [tilespmem:s20+$0xFFFFFD80];
	_ =	sdelay $0x1  }
0x2a: {  	v1 =	vld [tilespmem:s20+$0xFFFFFDC0];
	_ =	sdelay $0x1  }
0x2b: {  	v2 =	vld [tilespmem:s20+$0xFFFFFE00]  }
0x2c: {  	v0 =	vadd.f32 $0.0e+00, v0  }
0x2d: {  	v3 =	vld [tilespmem:s20+$0xFFFFFE40]  }
0x2e: {  	v0 =	vadd.f32 v1, v0  }
0x2f: {  	v1 =	vld [tilespmem:s20+$0xFFFFFE80]  }
0x30: {  	v0 =	vadd.f32 v2, v0  }
0x31: {  	v2 =	vld [tilespmem:s20+$0xFFFFFEC0]  }
0x32: {  	v0 =	vadd.f32 v3, v0  }
0x33: {  	v3 =	vld [tilespmem:s20+$0xFFFFFF00]  }
0x34: {  	v0 =	vadd.f32 v1, v0  }
0x35: {  	v1 =	vld [tilespmem:s20+$0xFFFFFF40]  }
0x36: {  	v0 =	vadd.f32 v2, v0  }
0x37: {  	v2 =	vld [tilespmem:s20+$0xFFFFFF80]  }
0x38: {  	v0 =	vadd.f32 v3, v0  }
0x39: {  	v3 =	vld [tilespmem:s20+$0xFFFFFFC0]  }
0x3a: {  	v0 =	vadd.f32 v1, v0  }
0x3b: {  	v1 =	vld [tilespmem:s20+$0x0]  }
0x3c: {  	v0 =	vadd.f32 v2, v0  }
0x3d: {  	v2 =	vld [tilespmem:s20+$0x40]  }
0x3e: {  	v0 =	vadd.f32 v3, v0  }
0x3f: {  	v3 =	vld [tilespmem:s20+$0x80]  }
0x40: {  	v0 =	vadd.f32 v1, v0  }
0x41: {  	v1 =	vld [tilespmem:s20+$0xC0]  }
0x42: {  	v0 =	vadd.f32 v2, v0  }
0x43: {  	v2 =	vld [tilespmem:s20+$0x100]  }
0x44: {  	v0 =	vadd.f32 v3, v0  }
0x45: {  	v3 =	vld [tilespmem:s20+$0x140]  }
0x46: {  	v0 =	vadd.f32 v1, v0  }
0x47: {  	v1 =	vld [tilespmem:s20+$0x180]  }
0x48: {  	v0 =	vadd.f32 v2, v0  }
0x49: {  	v2 =	vld [tilespmem:s20+$0x1C0]  }
0x4a: {  	v0 =	vadd.f32 v3, v0  }
0x4b: {  	v3 =	vld [tilespmem:s20+$0x200]  }
0x4c: {  	v0 =	vadd.f32 v1, v0  }
0x4d: {  	v1 =	vld [tilespmem:s20+$0x240]  }
0x4e: {  	v0 =	vadd.f32 v2, v0;
	_ =	sdelay $0x1  }
0x4f: {  	v0 =	vadd.f32 v3, v0;
	_ =	sdelay $0x1  }
0x50: {  	v0 =	vadd.f32 v1, v0  }
0x51: {  	s21 =	simm.s32 $0x0  }
0x52: {  	[tilespmem:s21+$0xA280] =	vst v0  }
0x53: {  	v0 =	vld [tilespmem:s20+$0xFFFFFD90];
	_ =	sdelay $0x1  }
0x54: {  	v1 =	vld [tilespmem:s20+$0xFFFFFDD0];
	_ =	sdelay $0x1  }
0x55: {  	v2 =	vld [tilespmem:s20+$0xFFFFFE10]  }
0x56: {  	v0 =	vadd.f32 $0.0e+00, v0  }
0x57: {  	v3 =	vld [tilespmem:s20+$0xFFFFFE50]  }
0x58: {  	v0 =	vadd.f32 v1, v0  }
0x59: {  	v1 =	vld [tilespmem:s20+$0xFFFFFE90]  }
0x5a: {  	v0 =	vadd.f32 v2, v0  }
0x5b: {  	v2 =	vld [tilespmem:s20+$0xFFFFFED0]  }
0x5c: {  	v0 =	vadd.f32 v3, v0  }
0x5d: {  	v3 =	vld [tilespmem:s20+$0xFFFFFF10]  }
0x5e: {  	v0 =	vadd.f32 v1, v0  }
0x5f: {  	v1 =	vld [tilespmem:s20+$0xFFFFFF50]  }
0x60: {  	v0 =	vadd.f32 v2, v0  }
0x61: {  	v2 =	vld [tilespmem:s20+$0xFFFFFF90]  }
0x62: {  	v0 =	vadd.f32 v3, v0  }
0x63: {  	v3 =	vld [tilespmem:s20+$0xFFFFFFD0]  }
0x64: {  	v0 =	vadd.f32 v1, v0  }
0x65: {  	v1 =	vld [tilespmem:s20+$0x10]  }
0x66: {  	v0 =	vadd.f32 v2, v0  }
0x67: {  	v2 =	vld [tilespmem:s20+$0x50]  }
0x68: {  	v0 =	vadd.f32 v3, v0  }
0x69: {  	v3 =	vld [tilespmem:s20+$0x90]  }
0x6a: {  	v0 =	vadd.f32 v1, v0  }
0x6b: {  	v1 =	vld [tilespmem:s20+$0xD0]  }
0x6c: {  	v0 =	vadd.f32 v2, v0  }
0x6d: {  	v2 =	vld [tilespmem:s20+$0x110]  }
0x6e: {  	v0 =	vadd.f32 v3, v0  }
0x6f: {  	v3 =	vld [tilespmem:s20+$0x150]  }
0x70: {  	v0 =	vadd.f32 v1, v0  }
0x71: {  	v1 =	vld [tilespmem:s20+$0x190]  }
0x72: {  	v0 =	vadd.f32 v2, v0  }
0x73: {  	v2 =	vld [tilespmem:s20+$0x1D0]  }
0x74: {  	v0 =	vadd.f32 v3, v0  }
0x75: {  	v3 =	vld [tilespmem:s20+$0x210]  }
0x76: {  	v0 =	vadd.f32 v1, v0  }
0x77: {  	v1 =	vld [tilespmem:s20+$0x250]  }
0x78: {  	v0 =	vadd.f32 v2, v0;
	_ =	sdelay $0x1  }
0x79: {  	v0 =	vadd.f32 v3, v0;
	_ =	sdelay $0x1  }
0x7a: {  	v0 =	vadd.f32 v1, v0;
	_ =	sdelay $0x1  }
0x7b: {  	[tilespmem:s21+$0xA290] =	vst v0  }
0x7c: {  	v0 =	vld [tilespmem:s20+$0xFFFFFDA0];
	_ =	sdelay $0x1  }
0x7d: {  	v1 =	vld [tilespmem:s20+$0xFFFFFDE0];
	_ =	sdelay $0x1  }
0x7e: {  	v2 =	vld [tilespmem:s20+$0xFFFFFE20]  }
0x7f: {  	v0 =	vadd.f32 $0.0e+00, v0  }
0x80: {  	v3 =	vld [tilespmem:s20+$0xFFFFFE60]  }
0x81: {  	v0 =	vadd.f32 v1, v0  }
0x82: {  	v1 =	vld [tilespmem:s20+$0xFFFFFEA0]  }
0x83: {  	v0 =	vadd.f32 v2, v0  }
0x84: {  	v2 =	vld [tilespmem:s20+$0xFFFFFEE0]  }
0x85: {  	v0 =	vadd.f32 v3, v0  }
0x86: {  	v3 =	vld [tilespmem:s20+$0xFFFFFF20]  }
0x87: {  	v0 =	vadd.f32 v1, v0  }
0x88: {  	v1 =	vld [tilespmem:s20+$0xFFFFFF60]  }
0x89: {  	v0 =	vadd.f32 v2, v0  }
0x8a: {  	v2 =	vld [tilespmem:s20+$0xFFFFFFA0]  }
0x8b: {  	v0 =	vadd.f32 v3, v0  }
0x8c: {  	v3 =	vld [tilespmem:s20+$0xFFFFFFE0]  }
0x8d: {  	v0 =	vadd.f32 v1, v0  }
0x8e: {  	v1 =	vld [tilespmem:s20+$0x20]  }
0x8f: {  	v0 =	vadd.f32 v2, v0  }
0x90: {  	v2 =	vld [tilespmem:s20+$0x60]  }
0x91: {  	v0 =	vadd.f32 v3, v0  }
0x92: {  	v3 =	vld [tilespmem:s20+$0xA0]  }
0x93: {  	v0 =	vadd.f32 v1, v0  }
0x94: {  	v1 =	vld [tilespmem:s20+$0xE0]  }
0x95: {  	v0 =	vadd.f32 v2, v0  }
0x96: {  	v2 =	vld [tilespmem:s20+$0x120]  }
0x97: {  	v0 =	vadd.f32 v3, v0  }
0x98: {  	v3 =	vld [tilespmem:s20+$0x160]  }
0x99: {  	v0 =	vadd.f32 v1, v0  }
0x9a: {  	v1 =	vld [tilespmem:s20+$0x1A0]  }
0x9b: {  	v0 =	vadd.f32 v2, v0  }
0x9c: {  	v2 =	vld [tilespmem:s20+$0x1E0]  }
0x9d: {  	v0 =	vadd.f32 v3, v0  }
0x9e: {  	v3 =	vld [tilespmem:s20+$0x220]  }
0x9f: {  	v0 =	vadd.f32 v1, v0  }
0xa0: {  	v1 =	vld [tilespmem:s20+$0x260]  }
0xa1: {  	v0 =	vadd.f32 v2, v0;
	_ =	sdelay $0x1  }
0xa2: {  	v0 =	vadd.f32 v3, v0;
	_ =	sdelay $0x1  }
0xa3: {  	v0 =	vadd.f32 v1, v0;
	_ =	sdelay $0x1  }
0xa4: {  	[tilespmem:s21+$0xA2A0] =	vst v0  }
0xa5: {  	v0 =	vld [tilespmem:s20+$0xFFFFFDB0];
	_ =	sdelay $0x1  }
0xa6: {  	v1 =	vld [tilespmem:s20+$0xFFFFFDF0];
	_ =	sdelay $0x1  }
0xa7: {  	v2 =	vld [tilespmem:s20+$0xFFFFFE30]  }
0xa8: {  	v0 =	vadd.f32 $0.0e+00, v0  }
0xa9: {  	v3 =	vld [tilespmem:s20+$0xFFFFFE70]  }
0xaa: {  	v0 =	vadd.f32 v1, v0  }
0xab: {  	v1 =	vld [tilespmem:s20+$0xFFFFFEB0]  }
0xac: {  	v0 =	vadd.f32 v2, v0  }
0xad: {  	v2 =	vld [tilespmem:s20+$0xFFFFFEF0]  }
0xae: {  	v0 =	vadd.f32 v3, v0  }
0xaf: {  	v3 =	vld [tilespmem:s20+$0xFFFFFF30]  }
0xb0: {  	v0 =	vadd.f32 v1, v0  }
0xb1: {  	v1 =	vld [tilespmem:s20+$0xFFFFFF70]  }
0xb2: {  	v0 =	vadd.f32 v2, v0  }
0xb3: {  	v2 =	vld [tilespmem:s20+$0xFFFFFFB0]  }
0xb4: {  	v0 =	vadd.f32 v3, v0  }
0xb5: {  	v3 =	vld [tilespmem:s20+$0xFFFFFFF0]  }
0xb6: {  	v0 =	vadd.f32 v1, v0  }
0xb7: {  	v1 =	vld [tilespmem:s20+$0x30]  }
0xb8: {  	v0 =	vadd.f32 v2, v0  }
0xb9: {  	v2 =	vld [tilespmem:s20+$0x70]  }
0xba: {  	v0 =	vadd.f32 v3, v0  }
0xbb: {  	v3 =	vld [tilespmem:s20+$0xB0]  }
0xbc: {  	v0 =	vadd.f32 v1, v0  }
0xbd: {  	v1 =	vld [tilespmem:s20+$0xF0]  }
0xbe: {  	v0 =	vadd.f32 v2, v0  }
0xbf: {  	v2 =	vld [tilespmem:s20+$0x130]  }
0xc0: {  	v0 =	vadd.f32 v3, v0  }
0xc1: {  	v3 =	vld [tilespmem:s20+$0x170]  }
0xc2: {  	v0 =	vadd.f32 v1, v0  }
0xc3: {  	v1 =	vld [tilespmem:s20+$0x1B0]  }
0xc4: {  	v0 =	vadd.f32 v2, v0  }
0xc5: {  	v2 =	vld [tilespmem:s20+$0x1F0]  }
0xc6: {  	v0 =	vadd.f32 v3, v0  }
0xc7: {  	v3 =	vld [tilespmem:s20+$0x230]  }
0xc8: {  	v0 =	vadd.f32 v1, v0  }
0xc9: {  	v1 =	vld [tilespmem:s20+$0x270]  }
0xca: {  	v0 =	vadd.f32 v2, v0;
	_ =	sdelay $0x1  }
0xcb: {  	v0 =	vadd.f32 v3, v0;
	_ =	sdelay $0x1  }
0xcc: {  	s22 =	simm.s32 $0x100;
	v0 =	vadd.f32 v1, v0  }
.LBB2_2:
0xcd: {  	p0 =	sne.s32 s22, $0x1F00  }
0xce: {  	s20 =	sadd.s32 $0x500, s20;
	[tilespmem:s21+$0xA2B0] =	vst v0;
	s21 =	smov.u32 s22;
	s22 =	sadd.s32 $0x100, s22  }
0xcf: {  	v0 =	vld [tilespmem:s20+$0xFFFFFD80];
	_ =	sdelay $0x1  }
0xd0: {  	v1 =	vld [tilespmem:s20+$0xFFFFFDC0];
	_ =	sdelay $0x1  }
0xd1: {  	v2 =	vld [tilespmem:s20+$0xFFFFFE00]  }
0xd2: {  	v0 =	vadd.f32 $0.0e+00, v0  }
0xd3: {  	v3 =	vld [tilespmem:s20+$0xFFFFFE40]  }
0xd4: {  	v0 =	vadd.f32 v1, v0  }
0xd5: {  	v1 =	vld [tilespmem:s20+$0xFFFFFE80]  }
0xd6: {  	v0 =	vadd.f32 v2, v0  }
0xd7: {  	v2 =	vld [tilespmem:s20+$0xFFFFFEC0]  }
0xd8: {  	v0 =	vadd.f32 v3, v0  }
0xd9: {  	v3 =	vld [tilespmem:s20+$0xFFFFFF00]  }
0xda: {  	v0 =	vadd.f32 v1, v0  }
0xdb: {  	v1 =	vld [tilespmem:s20+$0xFFFFFF40]  }
0xdc: {  	v0 =	vadd.f32 v2, v0  }
0xdd: {  	v2 =	vld [tilespmem:s20+$0xFFFFFF80]  }
0xde: {  	v0 =	vadd.f32 v3, v0  }
0xdf: {  	v3 =	vld [tilespmem:s20+$0xFFFFFFC0]  }
0xe0: {  	v0 =	vadd.f32 v1, v0  }
0xe1: {  	v1 =	vld [tilespmem:s20+$0x0]  }
0xe2: {  	v0 =	vadd.f32 v2, v0  }
0xe3: {  	v2 =	vld [tilespmem:s20+$0x40]  }
0xe4: {  	v0 =	vadd.f32 v3, v0  }
0xe5: {  	v3 =	vld [tilespmem:s20+$0x80]  }
0xe6: {  	v0 =	vadd.f32 v1, v0  }
0xe7: {  	v1 =	vld [tilespmem:s20+$0xC0]  }
0xe8: {  	v0 =	vadd.f32 v2, v0  }
0xe9: {  	v2 =	vld [tilespmem:s20+$0x100]  }
0xea: {  	v0 =	vadd.f32 v3, v0  }
0xeb: {  	v3 =	vld [tilespmem:s20+$0x140]  }
0xec: {  	v0 =	vadd.f32 v1, v0  }
0xed: {  	v1 =	vld [tilespmem:s20+$0x180]  }
0xee: {  	v0 =	vadd.f32 v2, v0  }
0xef: {  	v2 =	vld [tilespmem:s20+$0x1C0]  }
0xf0: {  	v0 =	vadd.f32 v3, v0  }
0xf1: {  	v3 =	vld [tilespmem:s20+$0x200]  }
0xf2: {  	v0 =	vadd.f32 v1, v0  }
0xf3: {  	v1 =	vld [tilespmem:s20+$0x240]  }
0xf4: {  	v0 =	vadd.f32 v2, v0;
	_ =	sdelay $0x1  }
0xf5: {  	v0 =	vadd.f32 v3, v0;
	_ =	sdelay $0x1  }
0xf6: {  	v0 =	vadd.f32 v1, v0  }
0xf7: {  	s21 =	sshra.s32 s21, $0x2  }
0xf8: {  	[tilespmem:s21+$0xA280] =	vst v0  }
0xf9: {  	v0 =	vld [tilespmem:s20+$0xFFFFFD90];
	_ =	sdelay $0x1  }
0xfa: {  	v1 =	vld [tilespmem:s20+$0xFFFFFDD0];
	_ =	sdelay $0x1  }
0xfb: {  	v2 =	vld [tilespmem:s20+$0xFFFFFE10]  }
0xfc: {  	v0 =	vadd.f32 $0.0e+00, v0  }
0xfd: {  	v3 =	vld [tilespmem:s20+$0xFFFFFE50]  }
0xfe: {  	v0 =	vadd.f32 v1, v0  }
0xff: {  	v1 =	vld [tilespmem:s20+$0xFFFFFE90]  }
0x100: {  	v0 =	vadd.f32 v2, v0  }
0x101: {  	v2 =	vld [tilespmem:s20+$0xFFFFFED0]  }
0x102: {  	v0 =	vadd.f32 v3, v0  }
0x103: {  	v3 =	vld [tilespmem:s20+$0xFFFFFF10]  }
0x104: {  	v0 =	vadd.f32 v1, v0  }
0x105: {  	v1 =	vld [tilespmem:s20+$0xFFFFFF50]  }
0x106: {  	v0 =	vadd.f32 v2, v0  }
0x107: {  	v2 =	vld [tilespmem:s20+$0xFFFFFF90]  }
0x108: {  	v0 =	vadd.f32 v3, v0  }
0x109: {  	v3 =	vld [tilespmem:s20+$0xFFFFFFD0]  }
0x10a: {  	v0 =	vadd.f32 v1, v0  }
0x10b: {  	v1 =	vld [tilespmem:s20+$0x10]  }
0x10c: {  	v0 =	vadd.f32 v2, v0  }
0x10d: {  	v2 =	vld [tilespmem:s20+$0x50]  }
0x10e: {  	v0 =	vadd.f32 v3, v0  }
0x10f: {  	v3 =	vld [tilespmem:s20+$0x90]  }
0x110: {  	v0 =	vadd.f32 v1, v0  }
0x111: {  	v1 =	vld [tilespmem:s20+$0xD0]  }
0x112: {  	v0 =	vadd.f32 v2, v0  }
0x113: {  	v2 =	vld [tilespmem:s20+$0x110]  }
0x114: {  	v0 =	vadd.f32 v3, v0  }
0x115: {  	v3 =	vld [tilespmem:s20+$0x150]  }
0x116: {  	v0 =	vadd.f32 v1, v0  }
0x117: {  	v1 =	vld [tilespmem:s20+$0x190]  }
0x118: {  	v0 =	vadd.f32 v2, v0  }
0x119: {  	v2 =	vld [tilespmem:s20+$0x1D0]  }
0x11a: {  	v0 =	vadd.f32 v3, v0  }
0x11b: {  	v3 =	vld [tilespmem:s20+$0x210]  }
0x11c: {  	v0 =	vadd.f32 v1, v0  }
0x11d: {  	v1 =	vld [tilespmem:s20+$0x250]  }
0x11e: {  	v0 =	vadd.f32 v2, v0;
	_ =	sdelay $0x1  }
0x11f: {  	v0 =	vadd.f32 v3, v0;
	_ =	sdelay $0x1  }
0x120: {  	v0 =	vadd.f32 v1, v0;
	_ =	sdelay $0x1  }
0x121: {  	[tilespmem:s21+$0xA290] =	vst v0  }
0x122: {  	v0 =	vld [tilespmem:s20+$0xFFFFFDA0];
	_ =	sdelay $0x1  }
0x123: {  	v1 =	vld [tilespmem:s20+$0xFFFFFDE0];
	_ =	sdelay $0x1  }
0x124: {  	v2 =	vld [tilespmem:s20+$0xFFFFFE20]  }
0x125: {  	v0 =	vadd.f32 $0.0e+00, v0  }
0x126: {  	v3 =	vld [tilespmem:s20+$0xFFFFFE60]  }
0x127: {  	v0 =	vadd.f32 v1, v0  }
0x128: {  	v1 =	vld [tilespmem:s20+$0xFFFFFEA0]  }
0x129: {  	v0 =	vadd.f32 v2, v0  }
0x12a: {  	v2 =	vld [tilespmem:s20+$0xFFFFFEE0]  }
0x12b: {  	v0 =	vadd.f32 v3, v0  }
0x12c: {  	v3 =	vld [tilespmem:s20+$0xFFFFFF20]  }
0x12d: {  	v0 =	vadd.f32 v1, v0  }
0x12e: {  	v1 =	vld [tilespmem:s20+$0xFFFFFF60]  }
0x12f: {  	v0 =	vadd.f32 v2, v0  }
0x130: {  	v2 =	vld [tilespmem:s20+$0xFFFFFFA0]  }
0x131: {  	v0 =	vadd.f32 v3, v0  }
0x132: {  	v3 =	vld [tilespmem:s20+$0xFFFFFFE0]  }
0x133: {  	v0 =	vadd.f32 v1, v0  }
0x134: {  	v1 =	vld [tilespmem:s20+$0x20]  }
0x135: {  	v0 =	vadd.f32 v2, v0  }
0x136: {  	v2 =	vld [tilespmem:s20+$0x60]  }
0x137: {  	v0 =	vadd.f32 v3, v0  }
0x138: {  	v3 =	vld [tilespmem:s20+$0xA0]  }
0x139: {  	v0 =	vadd.f32 v1, v0  }
0x13a: {  	v1 =	vld [tilespmem:s20+$0xE0]  }
0x13b: {  	v0 =	vadd.f32 v2, v0  }
0x13c: {  	v2 =	vld [tilespmem:s20+$0x120]  }
0x13d: {  	v0 =	vadd.f32 v3, v0  }
0x13e: {  	v3 =	vld [tilespmem:s20+$0x160]  }
0x13f: {  	v0 =	vadd.f32 v1, v0  }
0x140: {  	v1 =	vld [tilespmem:s20+$0x1A0]  }
0x141: {  	v0 =	vadd.f32 v2, v0  }
0x142: {  	v2 =	vld [tilespmem:s20+$0x1E0]  }
0x143: {  	v0 =	vadd.f32 v3, v0  }
0x144: {  	v3 =	vld [tilespmem:s20+$0x220]  }
0x145: {  	v0 =	vadd.f32 v1, v0  }
0x146: {  	v1 =	vld [tilespmem:s20+$0x260]  }
0x147: {  	v0 =	vadd.f32 v2, v0;
	_ =	sdelay $0x1  }
0x148: {  	v0 =	vadd.f32 v3, v0;
	_ =	sdelay $0x1  }
0x149: {  	v0 =	vadd.f32 v1, v0;
	_ =	sdelay $0x1  }
0x14a: {  	[tilespmem:s21+$0xA2A0] =	vst v0  }
0x14b: {  	v0 =	vld [tilespmem:s20+$0xFFFFFDB0]  }
0x14c: {  	v1 =	vld [tilespmem:s20+$0xFFFFFDF0]  }
0x14d: {  	v2 =	vld [tilespmem:s20+$0xFFFFFE30]  }
0x14e: {  	v3 =	vld [tilespmem:s20+$0xFFFFFE70]  }
0x14f: {  	v4 =	vld [tilespmem:s20+$0xFFFFFEB0]  }
0x150: {  	v0 =	vadd.f32 $0.0e+00, v0;
	v5 =	vld [tilespmem:s20+$0xFFFFFEF0]  }
0x151: {  	v6 =	vld [tilespmem:s20+$0xFFFFFF30]  }
0x152: {  	v0 =	vadd.f32 v1, v0;
	v1 =	vld [tilespmem:s20+$0xFFFFFF70]  }
0x153: {  	v7 =	vld [tilespmem:s20+$0xFFFFFFB0]  }
0x154: {  	v0 =	vadd.f32 v2, v0;
	v2 =	vld [tilespmem:s20+$0xFFFFFFF0]  }
0x155: {  	v8 =	vld [tilespmem:s20+$0x30]  }
0x156: {  	v0 =	vadd.f32 v3, v0;
	v3 =	vld [tilespmem:s20+$0x70]  }
0x157: {  	v9 =	vld [tilespmem:s20+$0xB0]  }
0x158: {  	v0 =	vadd.f32 v4, v0;
	v4 =	vld [tilespmem:s20+$0xF0]  }
0x159: {  	v10 =	vld [tilespmem:s20+$0x130]  }
0x15a: {  	v0 =	vadd.f32 v5, v0;
	v5 =	vld [tilespmem:s20+$0x170]  }
0x15b: {  	v11 =	vld [tilespmem:s20+$0x1B0]  }
0x15c: {  	v0 =	vadd.f32 v6, v0;
	v6 =	vld [tilespmem:s20+$0x1F0]  }
0x15d: {  	v12 =	vld [tilespmem:s20+$0x230]  }
0x15e: {  	v0 =	vadd.f32 v1, v0;
	v1 =	vld [tilespmem:s20+$0x270];
	_ =	sdelay $0x1  }
0x15f: {  	v0 =	vadd.f32 v7, v0;
	_ =	sdelay $0x1  }
0x160: {  	v0 =	vadd.f32 v2, v0;
	_ =	sdelay $0x1  }
0x161: {  	v0 =	vadd.f32 v8, v0;
	_ =	sdelay $0x1  }
0x162: {  	v0 =	vadd.f32 v3, v0;
	_ =	sdelay $0x1  }
0x163: {  	v0 =	vadd.f32 v9, v0;
	_ =	sdelay $0x1  }
0x164: {  	v0 =	vadd.f32 v4, v0;
	_ =	sdelay $0x1  }
0x165: {  	v0 =	vadd.f32 v10, v0;
	_ =	sdelay $0x1  }
0x166: {  	v0 =	vadd.f32 v5, v0;
	_ =	sdelay $0x1  }
0x167: {  	v0 =	vadd.f32 v11, v0;
	_ =	sdelay $0x1  }
.Ltmp0:
0x168: {  	v0 =	vadd.f32 v6, v0;
	(pc) =	sbr.rel @p0 .LBB2_2-.Ltmp0, $3  }
0x169: {  	_ = 	snop  }
0x16a: {  	v0 =	vadd.f32 v12, v0;
	_ =	sdelay $0x1  }
0x16b: {  	v0 =	vadd.f32 v1, v0  }
0x16c: {  	s19 =	sadd.s32 $0x1, s19  }
0x16d: {  	p0 =	sne.s32 s19, s6  }
.Ltmp1:
0x16e: {  	[tilespmem:s21+$0xA2B0] =	vst v0;
	(pc) =	sbr.rel @p0 .LBB2_1-.Ltmp1, $4  }
0x16f: {  	[hbm4b:s5+s2] =	stream.linear.scatter [tilespmem:s18], [sflag:$0x2], $0x800, $0x38;
	[tilespmem:$0xAA80] =	vst v63  }
0x170: {  	_ =	swait.ge [sflag:s7], $0x800  }
0x171: {  	[sflag:s7] =	ssyncset.done $0x0  }
0x172: {  	[sflag:s7] =	ssyncadd.s32 $0xFFFFF800  }
0x173: {  	_ =	sfence.sel $0x180000  }
0x174: {  	[bflag:$0x0] =	sbarrier.arrive $0xFFFF  }
0x175: {  	p0 =	sne.s32 s0, $0x0;
	_ =	strace $0x90000047  }
0x176: {  	s0 =	sadd.s32 @!p0 $0x100000, s1;
	[bflag:$0x2] =	sbarrier.arrive $0xFFFF  }
0x177: {  	[sflag:s0] =	ssyncadd.tile.s32 @!p0 $0x1;
	_ =	shalt  }
.Lfunc_end2:
_tile_overlayer_lowered:
.L_overlay_start_2:
0x178: {  	(tag) =	ssettag $0x2  }
0x179: {  	s0 =	rddreg [dreg:$0x0];
	s2 =	stileid.u32  }
0x17a: {  	s1 =	rddreg [dreg:$0x1];
	p0 =	sne.s32 s2, $0x0  }
0x17b: {  	s3 =	rddreg [dreg:$0x2];
	[bflag:$0x3] =	sbarrier.arrive $0xFFFF;
	s2 =	simm.s32 @!p0 $0x1C02  }
0x17c: {  	[timem:s3], [sflag:s2] =	dma.local @!p0 [hbm:s0], s1  }
0x17d: {  	s0 =	simm.s32 @!p0 $0x2  }
0x17e: {  	_ =	swait.ge @!p0 [sflag:s0], s1  }
0x17f: {  	s1 =	ssub.s32 @!p0 $0x0, s1;
	[sflag:s0] =	ssyncset.done @!p0 $0x0  }
0x180: {  	[sflag:s0] =	ssyncadd.s32 @!p0 s1  }
0x181: {  	[bflag:$0x3] =	sbarrier.arrive $0xFFFF  }
0x182: {  	_ =	shalt  }

</sc_bundles>
